<compile_context>
chip_gen: v7x
topology: tpu7x:2x2x1
jax: 0.10.2.dev20260603
libtpu: 0.0.44.dev20260713+nightly
codegen_flags: <defaults>
</compile_context>

<pallas_src>
import functools

import jax
import jax.numpy as jnp
from jax import lax
from jax.experimental import pallas as pl
from jax.experimental.pallas import tpu as pltpu, tpu_sc as plsc

TIME_STEPS = 1000
EMBED_DIM = 512
BATCH = 1024
_LANE = 128
_CHUNKS = EMBED_DIM // _LANE

_NUM_SUBCORES = 16
_B_PER_W = BATCH // _NUM_SUBCORES
_BLK = 32
_C_BLK = _BLK * _CHUNKS

_mesh = plsc.VectorSubcoreMesh(
    core_axis_name="c", subcore_axis_name="s", num_cores=1)


@functools.partial(
    pl.kernel,
    mesh=_mesh,
    out_type=jax.ShapeDtypeStruct((BATCH * _CHUNKS, _LANE), jnp.float32),
    compiler_params=pltpu.CompilerParams(
        use_tc_tiling_on_sc=False, needs_layout_passes=False),
    scratch_types=[
        pltpu.VMEM((_B_PER_W,), jnp.int32),
        pltpu.VMEM((_C_BLK,), jnp.int32),
        pltpu.VMEM((_C_BLK,), jnp.int32),
        pltpu.VMEM((_C_BLK, _LANE), jnp.float32),
        pltpu.VMEM((_C_BLK, _LANE), jnp.float32),
        pltpu.SemaphoreType.DMA,
        pltpu.SemaphoreType.DMA,
        pltpu.SemaphoreType.DMA,
        pltpu.SemaphoreType.DMA,
    ],
)
def _gather_rows(table_hbm, idx_hbm, out_hbm, idx_v, idxA, idxB, rowsA, rowsB,
                 gA, gB, sA, sB):
    sid = lax.axis_index("s")
    base = sid * _B_PER_W
    pltpu.sync_copy(idx_hbm.at[pl.ds(base, _B_PER_W)], idx_v)

    def fill(idx4, off):
        for k in range(_BLK // 16):
            tv = idx_v[pl.ds(off + k * 16, 16)]
            pb = ((tv >> 3) << 5) | (tv & 7)
            pos = lax.iota(jnp.int32, 16) * _CHUNKS + k * 16 * _CHUNKS
            for c in range(_CHUNKS):
                plsc.store_scatter(idx4, [pos + c], pb + c * 8)

    fill(idxA, 0)
    cA = pltpu.async_copy(table_hbm.at[idxA], rowsA, gA)
    fill(idxB, _BLK)
    cB = pltpu.async_copy(table_hbm.at[idxB], rowsB, gB)
    cA.wait()
    wA = pltpu.async_copy(rowsA, out_hbm.at[pl.ds(base * _CHUNKS, _C_BLK)], sA)
    cB.wait()
    wB = pltpu.async_copy(
        rowsB, out_hbm.at[pl.ds(base * _CHUNKS + _C_BLK, _C_BLK)], sB)
    wA.wait()
    wB.wait()


def kernel(x, t, embeddings):
    table4 = (
        embeddings.reshape(TIME_STEPS // 8, 8, _CHUNKS, _LANE)
        .transpose(0, 2, 1, 3)
        .reshape(TIME_STEPS * _CHUNKS, _LANE)
    )
    out = _gather_rows(table4, t.astype(jnp.int32))
    return out.reshape(BATCH, EMBED_DIM, 1, 1)

# --- scband reference (transcript-rebuilt; emitter-appended) ---
"""Pipeline reference for scband-sinusoidal-embeddings-61065845014771 (READ-ONLY COPY).

The authoritative reference and input builder live on the scoring server;
editing this copy changes nothing except your own understanding.
"""

import jax, jax.numpy as jnp
import numpy as np
import math

TIME_STEPS = 1000
EMBED_DIM = 512
BATCH = 1024


def _build_embeddings():
    position = jnp.arange(TIME_STEPS, dtype=jnp.float32)[:, None]
    div = jnp.exp(jnp.arange(0, EMBED_DIM, 2, dtype=jnp.float32) * -(math.log(10000.0) / EMBED_DIM))
    emb = jnp.zeros((TIME_STEPS, EMBED_DIM), dtype=jnp.float32)
    emb = emb.at[:, 0::2].set(jnp.sin(position * div))
    emb = emb.at[:, 1::2].set(jnp.cos(position * div))
    return emb


def setup_inputs(seed: int = 0) -> dict:
    key = jax.random.key(seed)
    k1, k2 = jax.random.split(key)
    x = jax.random.normal(k1, (BATCH, 3, 64, 64), dtype=jnp.float32)
    t = jax.random.randint(k2, (BATCH,), 0, TIME_STEPS, dtype=jnp.int64 if jax.config.jax_enable_x64 else jnp.int32)
    embeddings = _build_embeddings()
    return {"x": x, "t": t, "embeddings": embeddings}


def reference(x, t, embeddings):
    # embeddings[t][:, :, None, None]
    out = jnp.take(embeddings, t, axis=0)[:, :, None, None]
    return out

if __name__ == "__main__":
    import jax
    _d = setup_inputs()
    print(jax.jit(kernel)(*tuple(_d.values())))

</pallas_src>

<mosaic_0001>
#map = affine_map<(d0, d1) -> (0, 0)>
#map1 = affine_map<(d0, d1) -> (0)>
module attributes {stable_mosaic.version = 14 : i64} {
  func.func @_gather_rows(%arg0: i32, %arg1: i32, %arg2: memref<4000x128xf32, #tpu.memory_space<hbm>>, %arg3: memref<1024xi32, #tpu.memory_space<hbm>>, %arg4: memref<4096x128xf32, #tpu.memory_space<hbm>>, %arg5: memref<64xi32, #tpu.memory_space<vmem>>, %arg6: memref<128xi32, #tpu.memory_space<vmem>>, %arg7: memref<128xi32, #tpu.memory_space<vmem>>, %arg8: memref<128x128xf32, #tpu.memory_space<vmem>>, %arg9: memref<128x128xf32, #tpu.memory_space<vmem>>, %arg10: memref<!tpu.dma_semaphore, #tpu.memory_space<semaphore_mem>>, %arg11: memref<!tpu.dma_semaphore, #tpu.memory_space<semaphore_mem>>, %arg12: memref<!tpu.dma_semaphore, #tpu.memory_space<semaphore_mem>>, %arg13: memref<!tpu.dma_semaphore, #tpu.memory_space<semaphore_mem>>) attributes {dimension_semantics = [#tpu.dimension_semantics<core_parallel>, #tpu.dimension_semantics<subcore_parallel>], iteration_bounds = array<i64: 1, 16>, scalar_prefetch = 0 : i64, scratch_operands = 9 : i64, tpu.core_type = #tpu.core_type<sc_vector_subcore>, window_params = [{transform_indices = #map}, {transform_indices = #map1}, {transform_indices = #map}]} {
    %mul3A = arith.constant 64 : i32
    %mul3A_0 = arith.muli %arg1, %mul3A : i32
    "tpu.region"() ({
      %run_scoped3A = tpu.sem_alloc : memref<!tpu.dma_semaphore, #tpu.memory_space<semaphore_mem>>
      %dma_start3A_198 = tpu.memref_slice %arg3[%mul3A_0] : memref<1024xi32, #tpu.memory_space<hbm>> -> memref<64xi32, #tpu.memory_space<hbm>>
      %dma_start3A_199 = tpu.memref_slice %arg3[%mul3A_0] : memref<1024xi32, #tpu.memory_space<hbm>> -> memref<64xi32, #tpu.memory_space<hbm>>
      tpu.enqueue_dma source(%dma_start3A_199 : memref<64xi32, #tpu.memory_space<hbm>>) target(%arg5 : memref<64xi32, #tpu.memory_space<vmem>>) target_semaphore(%run_scoped3A : memref<!tpu.dma_semaphore, #tpu.memory_space<semaphore_mem>>)
      %dma_wait3A_200 = tpu.memref_slice %arg3[%mul3A_0] : memref<1024xi32, #tpu.memory_space<hbm>> -> memref<64xi32, #tpu.memory_space<hbm>>
      %dma_wait3A_201 = tpu.memref_slice %arg3[%mul3A_0] : memref<1024xi32, #tpu.memory_space<hbm>> -> memref<64xi32, #tpu.memory_space<hbm>>
      tpu.wait_dma2 semaphore(%run_scoped3A : memref<!tpu.dma_semaphore, #tpu.memory_space<semaphore_mem>>) src(%dma_wait3A_201 : memref<64xi32, #tpu.memory_space<hbm>>) dst(%arg5 : memref<64xi32, #tpu.memory_space<vmem>>)
      tpu.yield
    }) : () -> ()
    %get3A = arith.constant 0 : index
    %get3A_1 = tpu.vector_load %arg5[%get3A] {strides = array<i32>} : memref<64xi32, #tpu.memory_space<vmem>>, vector<16xi32>,
    %shift_right_arithmetic3A = arith.constant 3 : i32
    %shift_right_arithmetic3A_2 = vector.broadcast %shift_right_arithmetic3A : i32 to vector<16xi32>
    %shift_right_arithmetic3A_3 = arith.shrsi %get3A_1, %shift_right_arithmetic3A_2 : vector<16xi32>
    %shift_left3A = arith.constant 5 : i32
    %shift_left3A_4 = vector.broadcast %shift_left3A : i32 to vector<16xi32>
    %shift_left3A_5 = arith.shli %shift_right_arithmetic3A_3, %shift_left3A_4 : vector<16xi32>
    %and3A = arith.constant 7 : i32
    %and3A_6 = vector.broadcast %and3A : i32 to vector<16xi32>
    %and3A_7 = arith.andi %get3A_1, %and3A_6 : vector<16xi32>
    %or3A = arith.ori %shift_left3A_5, %and3A_7 : vector<16xi32>
    %iota3A = tpu.iota {dimensions = array<i32: 0>} : vector<16xi32>
    %mul3A_8 = arith.constant 4 : i32
    %mul3A_9 = vector.broadcast %mul3A_8 : i32 to vector<16xi32>
    %mul3A_10 = arith.muli %iota3A, %mul3A_9 : vector<16xi32>
    %add3A = arith.constant 0 : i32
    %add3A_11 = vector.broadcast %add3A : i32 to vector<16xi32>
    %add3A_12 = arith.addi %mul3A_10, %add3A_11 : vector<16xi32>
    %add3A_13 = arith.constant 0 : i32
    %add3A_14 = vector.broadcast %add3A_13 : i32 to vector<16xi32>
    %add3A_15 = arith.addi %add3A_12, %add3A_14 : vector<16xi32>
    %add3A_16 = arith.constant 0 : i32
    %add3A_17 = vector.broadcast %add3A_16 : i32 to vector<16xi32>
    %add3A_18 = arith.addi %or3A, %add3A_17 : vector<16xi32>
    tpu.vector_store_idx %arg6[%add3A_15], %add3A_18 : memref<128xi32, #tpu.memory_space<vmem>>[vector<16xi32>], vector<16xi32>,
    %add3A_19 = arith.constant 1 : i32
    %add3A_20 = vector.broadcast %add3A_19 : i32 to vector<16xi32>
    %add3A_21 = arith.addi %add3A_12, %add3A_20 : vector<16xi32>
    %add3A_22 = arith.constant 8 : i32
    %add3A_23 = vector.broadcast %add3A_22 : i32 to vector<16xi32>
    %add3A_24 = arith.addi %or3A, %add3A_23 : vector<16xi32>
    tpu.vector_store_idx %arg6[%add3A_21], %add3A_24 : memref<128xi32, #tpu.memory_space<vmem>>[vector<16xi32>], vector<16xi32>,
    %add3A_25 = arith.constant 2 : i32
    %add3A_26 = vector.broadcast %add3A_25 : i32 to vector<16xi32>
    %add3A_27 = arith.addi %add3A_12, %add3A_26 : vector<16xi32>
    %add3A_28 = arith.constant 16 : i32
    %add3A_29 = vector.broadcast %add3A_28 : i32 to vector<16xi32>
    %add3A_30 = arith.addi %or3A, %add3A_29 : vector<16xi32>
    tpu.vector_store_idx %arg6[%add3A_27], %add3A_30 : memref<128xi32, #tpu.memory_space<vmem>>[vector<16xi32>], vector<16xi32>,
    %add3A_31 = arith.constant 3 : i32
    %add3A_32 = vector.broadcast %add3A_31 : i32 to vector<16xi32>
    %add3A_33 = arith.addi %add3A_12, %add3A_32 : vector<16xi32>
    %add3A_34 = arith.constant 24 : i32
    %add3A_35 = vector.broadcast %add3A_34 : i32 to vector<16xi32>
    %add3A_36 = arith.addi %or3A, %add3A_35 : vector<16xi32>
    tpu.vector_store_idx %arg6[%add3A_33], %add3A_36 : memref<128xi32, #tpu.memory_space<vmem>>[vector<16xi32>], vector<16xi32>,
    %get3A_37 = arith.constant 16 : index
    %get3A_38 = tpu.vector_load %arg5[%get3A_37] {strides = array<i32>} : memref<64xi32, #tpu.memory_space<vmem>>, vector<16xi32>,
    %shift_right_arithmetic3A_39 = arith.constant 3 : i32
    %shift_right_arithmetic3A_40 = vector.broadcast %shift_right_arithmetic3A_39 : i32 to vector<16xi32>
    %shift_right_arithmetic3A_41 = arith.shrsi %get3A_38, %shift_right_arithmetic3A_40 : vector<16xi32>
    %shift_left3A_42 = arith.constant 5 : i32
    %shift_left3A_43 = vector.broadcast %shift_left3A_42 : i32 to vector<16xi32>
    %shift_left3A_44 = arith.shli %shift_right_arithmetic3A_41, %shift_left3A_43 : vector<16xi32>
    %and3A_45 = arith.constant 7 : i32
    %and3A_46 = vector.broadcast %and3A_45 : i32 to vector<16xi32>
    %and3A_47 = arith.andi %get3A_38, %and3A_46 : vector<16xi32>
    %or3A_48 = arith.ori %shift_left3A_44, %and3A_47 : vector<16xi32>
    %iota3A_49 = tpu.iota {dimensions = array<i32: 0>} : vector<16xi32>
    %mul3A_50 = arith.constant 4 : i32
    %mul3A_51 = vector.broadcast %mul3A_50 : i32 to vector<16xi32>
    %mul3A_52 = arith.muli %iota3A_49, %mul3A_51 : vector<16xi32>
    %add3A_53 = arith.constant 64 : i32
    %add3A_54 = vector.broadcast %add3A_53 : i32 to vector<16xi32>
    %add3A_55 = arith.addi %mul3A_52, %add3A_54 : vector<16xi32>
    %add3A_56 = arith.constant 0 : i32
    %add3A_57 = vector.broadcast %add3A_56 : i32 to vector<16xi32>
    %add3A_58 = arith.addi %add3A_55, %add3A_57 : vector<16xi32>
    %add3A_59 = arith.constant 0 : i32
    %add3A_60 = vector.broadcast %add3A_59 : i32 to vector<16xi32>
    %add3A_61 = arith.addi %or3A_48, %add3A_60 : vector<16xi32>
    tpu.vector_store_idx %arg6[%add3A_58], %add3A_61 : memref<128xi32, #tpu.memory_space<vmem>>[vector<16xi32>], vector<16xi32>,
    %add3A_62 = arith.constant 1 : i32
    %add3A_63 = vector.broadcast %add3A_62 : i32 to vector<16xi32>
    %add3A_64 = arith.addi %add3A_55, %add3A_63 : vector<16xi32>
    %add3A_65 = arith.constant 8 : i32
    %add3A_66 = vector.broadcast %add3A_65 : i32 to vector<16xi32>
    %add3A_67 = arith.addi %or3A_48, %add3A_66 : vector<16xi32>
    tpu.vector_store_idx %arg6[%add3A_64], %add3A_67 : memref<128xi32, #tpu.memory_space<vmem>>[vector<16xi32>], vector<16xi32>,
    %add3A_68 = arith.constant 2 : i32
    %add3A_69 = vector.broadcast %add3A_68 : i32 to vector<16xi32>
    %add3A_70 = arith.addi %add3A_55, %add3A_69 : vector<16xi32>
    %add3A_71 = arith.constant 16 : i32
    %add3A_72 = vector.broadcast %add3A_71 : i32 to vector<16xi32>
    %add3A_73 = arith.addi %or3A_48, %add3A_72 : vector<16xi32>
    tpu.vector_store_idx %arg6[%add3A_70], %add3A_73 : memref<128xi32, #tpu.memory_space<vmem>>[vector<16xi32>], vector<16xi32>,
    %add3A_74 = arith.constant 3 : i32
    %add3A_75 = vector.broadcast %add3A_74 : i32 to vector<16xi32>
    %add3A_76 = arith.addi %add3A_55, %add3A_75 : vector<16xi32>
    %add3A_77 = arith.constant 24 : i32
    %add3A_78 = vector.broadcast %add3A_77 : i32 to vector<16xi32>
    %add3A_79 = arith.addi %or3A_48, %add3A_78 : vector<16xi32>
    tpu.vector_store_idx %arg6[%add3A_76], %add3A_79 : memref<128xi32, #tpu.memory_space<vmem>>[vector<16xi32>], vector<16xi32>,
    %dma_start3A = arith.constant 0 : i32
    %dma_start3A_80 = arith.constant 0 : i32
    %dma_start3A_81 = tpu.memref_slice %arg2[%dma_start3A, %dma_start3A_80] : memref<4000x128xf32, #tpu.memory_space<hbm>> -> memref<4000x128xf32, #tpu.memory_space<hbm>>
    tpu.enqueue_indirect_dma source(%dma_start3A_81 : memref<4000x128xf32, #tpu.memory_space<hbm>>) target(%arg8 : memref<128x128xf32, #tpu.memory_space<vmem>>) offsets(%arg6 : memref<128xi32, #tpu.memory_space<vmem>>) semaphore(%arg10 : memref<!tpu.dma_semaphore, #tpu.memory_space<semaphore_mem>>)
    %get3A_82 = arith.constant 32 : index
    %get3A_83 = tpu.vector_load %arg5[%get3A_82] {strides = array<i32>} : memref<64xi32, #tpu.memory_space<vmem>>, vector<16xi32>,
    %shift_right_arithmetic3A_84 = arith.constant 3 : i32
    %shift_right_arithmetic3A_85 = vector.broadcast %shift_right_arithmetic3A_84 : i32 to vector<16xi32>
    %shift_right_arithmetic3A_86 = arith.shrsi %get3A_83, %shift_right_arithmetic3A_85 : vector<16xi32>
    %shift_left3A_87 = arith.constant 5 : i32
    %shift_left3A_88 = vector.broadcast %shift_left3A_87 : i32 to vector<16xi32>
    %shift_left3A_89 = arith.shli %shift_right_arithmetic3A_86, %shift_left3A_88 : vector<16xi32>
    %and3A_90 = arith.constant 7 : i32
    %and3A_91 = vector.broadcast %and3A_90 : i32 to vector<16xi32>
    %and3A_92 = arith.andi %get3A_83, %and3A_91 : vector<16xi32>
    %or3A_93 = arith.ori %shift_left3A_89, %and3A_92 : vector<16xi32>
    %iota3A_94 = tpu.iota {dimensions = array<i32: 0>} : vector<16xi32>
    %mul3A_95 = arith.constant 4 : i32
    %mul3A_96 = vector.broadcast %mul3A_95 : i32 to vector<16xi32>
    %mul3A_97 = arith.muli %iota3A_94, %mul3A_96 : vector<16xi32>
    %add3A_98 = arith.constant 0 : i32
    %add3A_99 = vector.broadcast %add3A_98 : i32 to vector<16xi32>
    %add3A_100 = arith.addi %mul3A_97, %add3A_99 : vector<16xi32>
    %add3A_101 = arith.constant 0 : i32
    %add3A_102 = vector.broadcast %add3A_101 : i32 to vector<16xi32>
    %add3A_103 = arith.addi %add3A_100, %add3A_102 : vector<16xi32>
    %add3A_104 = arith.constant 0 : i32
    %add3A_105 = vector.broadcast %add3A_104 : i32 to vector<16xi32>
    %add3A_106 = arith.addi %or3A_93, %add3A_105 : vector<16xi32>
    tpu.vector_store_idx %arg7[%add3A_103], %add3A_106 : memref<128xi32, #tpu.memory_space<vmem>>[vector<16xi32>], vector<16xi32>,
    %add3A_107 = arith.constant 1 : i32
    %add3A_108 = vector.broadcast %add3A_107 : i32 to vector<16xi32>
    %add3A_109 = arith.addi %add3A_100, %add3A_108 : vector<16xi32>
    %add3A_110 = arith.constant 8 : i32
    %add3A_111 = vector.broadcast %add3A_110 : i32 to vector<16xi32>
    %add3A_112 = arith.addi %or3A_93, %add3A_111 : vector<16xi32>
    tpu.vector_store_idx %arg7[%add3A_109], %add3A_112 : memref<128xi32, #tpu.memory_space<vmem>>[vector<16xi32>], vector<16xi32>,
    %add3A_113 = arith.constant 2 : i32
    %add3A_114 = vector.broadcast %add3A_113 : i32 to vector<16xi32>
    %add3A_115 = arith.addi %add3A_100, %add3A_114 : vector<16xi32>
    %add3A_116 = arith.constant 16 : i32
    %add3A_117 = vector.broadcast %add3A_116 : i32 to vector<16xi32>
    %add3A_118 = arith.addi %or3A_93, %add3A_117 : vector<16xi32>
    tpu.vector_store_idx %arg7[%add3A_115], %add3A_118 : memref<128xi32, #tpu.memory_space<vmem>>[vector<16xi32>], vector<16xi32>,
    %add3A_119 = arith.constant 3 : i32
    %add3A_120 = vector.broadcast %add3A_119 : i32 to vector<16xi32>
    %add3A_121 = arith.addi %add3A_100, %add3A_120 : vector<16xi32>
    %add3A_122 = arith.constant 24 : i32
    %add3A_123 = vector.broadcast %add3A_122 : i32 to vector<16xi32>
    %add3A_124 = arith.addi %or3A_93, %add3A_123 : vector<16xi32>
    tpu.vector_store_idx %arg7[%add3A_121], %add3A_124 : memref<128xi32, #tpu.memory_space<vmem>>[vector<16xi32>], vector<16xi32>,
    %get3A_125 = arith.constant 48 : index
    %get3A_126 = tpu.vector_load %arg5[%get3A_125] {strides = array<i32>} : memref<64xi32, #tpu.memory_space<vmem>>, vector<16xi32>,
    %shift_right_arithmetic3A_127 = arith.constant 3 : i32
    %shift_right_arithmetic3A_128 = vector.broadcast %shift_right_arithmetic3A_127 : i32 to vector<16xi32>
    %shift_right_arithmetic3A_129 = arith.shrsi %get3A_126, %shift_right_arithmetic3A_128 : vector<16xi32>
    %shift_left3A_130 = arith.constant 5 : i32
    %shift_left3A_131 = vector.broadcast %shift_left3A_130 : i32 to vector<16xi32>
    %shift_left3A_132 = arith.shli %shift_right_arithmetic3A_129, %shift_left3A_131 : vector<16xi32>
    %and3A_133 = arith.constant 7 : i32
    %and3A_134 = vector.broadcast %and3A_133 : i32 to vector<16xi32>
    %and3A_135 = arith.andi %get3A_126, %and3A_134 : vector<16xi32>
    %or3A_136 = arith.ori %shift_left3A_132, %and3A_135 : vector<16xi32>
    %iota3A_137 = tpu.iota {dimensions = array<i32: 0>} : vector<16xi32>
    %mul3A_138 = arith.constant 4 : i32
    %mul3A_139 = vector.broadcast %mul3A_138 : i32 to vector<16xi32>
    %mul3A_140 = arith.muli %iota3A_137, %mul3A_139 : vector<16xi32>
    %add3A_141 = arith.constant 64 : i32
    %add3A_142 = vector.broadcast %add3A_141 : i32 to vector<16xi32>
    %add3A_143 = arith.addi %mul3A_140, %add3A_142 : vector<16xi32>
    %add3A_144 = arith.constant 0 : i32
    %add3A_145 = vector.broadcast %add3A_144 : i32 to vector<16xi32>
    %add3A_146 = arith.addi %add3A_143, %add3A_145 : vector<16xi32>
    %add3A_147 = arith.constant 0 : i32
    %add3A_148 = vector.broadcast %add3A_147 : i32 to vector<16xi32>
    %add3A_149 = arith.addi %or3A_136, %add3A_148 : vector<16xi32>
    tpu.vector_store_idx %arg7[%add3A_146], %add3A_149 : memref<128xi32, #tpu.memory_space<vmem>>[vector<16xi32>], vector<16xi32>,
    %add3A_150 = arith.constant 1 : i32
    %add3A_151 = vector.broadcast %add3A_150 : i32 to vector<16xi32>
    %add3A_152 = arith.addi %add3A_143, %add3A_151 : vector<16xi32>
    %add3A_153 = arith.constant 8 : i32
    %add3A_154 = vector.broadcast %add3A_153 : i32 to vector<16xi32>
    %add3A_155 = arith.addi %or3A_136, %add3A_154 : vector<16xi32>
    tpu.vector_store_idx %arg7[%add3A_152], %add3A_155 : memref<128xi32, #tpu.memory_space<vmem>>[vector<16xi32>], vector<16xi32>,
    %add3A_156 = arith.constant 2 : i32
    %add3A_157 = vector.broadcast %add3A_156 : i32 to vector<16xi32>
    %add3A_158 = arith.addi %add3A_143, %add3A_157 : vector<16xi32>
    %add3A_159 = arith.constant 16 : i32
    %add3A_160 = vector.broadcast %add3A_159 : i32 to vector<16xi32>
    %add3A_161 = arith.addi %or3A_136, %add3A_160 : vector<16xi32>
    tpu.vector_store_idx %arg7[%add3A_158], %add3A_161 : memref<128xi32, #tpu.memory_space<vmem>>[vector<16xi32>], vector<16xi32>,
    %add3A_162 = arith.constant 3 : i32
    %add3A_163 = vector.broadcast %add3A_162 : i32 to vector<16xi32>
    %add3A_164 = arith.addi %add3A_143, %add3A_163 : vector<16xi32>
    %add3A_165 = arith.constant 24 : i32
    %add3A_166 = vector.broadcast %add3A_165 : i32 to vector<16xi32>
    %add3A_167 = arith.addi %or3A_136, %add3A_166 : vector<16xi32>
    tpu.vector_store_idx %arg7[%add3A_164], %add3A_167 : memref<128xi32, #tpu.memory_space<vmem>>[vector<16xi32>], vector<16xi32>,
    %dma_start3A_168 = arith.constant 0 : i32
    %dma_start3A_169 = arith.constant 0 : i32
    %dma_start3A_170 = tpu.memref_slice %arg2[%dma_start3A_168, %dma_start3A_169] : memref<4000x128xf32, #tpu.memory_space<hbm>> -> memref<4000x128xf32, #tpu.memory_space<hbm>>
    tpu.enqueue_indirect_dma source(%dma_start3A_170 : memref<4000x128xf32, #tpu.memory_space<hbm>>) target(%arg9 : memref<128x128xf32, #tpu.memory_space<vmem>>) offsets(%arg7 : memref<128xi32, #tpu.memory_space<vmem>>) semaphore(%arg11 : memref<!tpu.dma_semaphore, #tpu.memory_space<semaphore_mem>>)
    %dma_wait3A = arith.constant 0 : i32
    %dma_wait3A_171 = arith.constant 0 : i32
    %dma_wait3A_172 = tpu.memref_slice %arg2[%dma_wait3A, %dma_wait3A_171] : memref<4000x128xf32, #tpu.memory_space<hbm>> -> memref<4000x128xf32, #tpu.memory_space<hbm>>
    tpu.wait_indirect_dma semaphore(%arg10 : memref<!tpu.dma_semaphore, #tpu.memory_space<semaphore_mem>>) src(%dma_wait3A_172 : memref<4000x128xf32, #tpu.memory_space<hbm>>) dst(%arg8 : memref<128x128xf32, #tpu.memory_space<vmem>>)
    %mul3A_173 = arith.constant 4 : i32
    %mul3A_174 = arith.muli %mul3A_0, %mul3A_173 : i32
    %dma_start3A_175 = arith.constant 0 : i32
    %dma_start3A_176 = tpu.memref_slice %arg4[%mul3A_174, %dma_start3A_175] : memref<4096x128xf32, #tpu.memory_space<hbm>> -> memref<128x128xf32, #tpu.memory_space<hbm>>
    %dma_start3A_177 = arith.constant 0 : i32
    %dma_start3A_178 = tpu.memref_slice %arg4[%mul3A_174, %dma_start3A_177] : memref<4096x128xf32, #tpu.memory_space<hbm>> -> memref<128x128xf32, #tpu.memory_space<hbm>>
    tpu.enqueue_dma source(%arg8 : memref<128x128xf32, #tpu.memory_space<vmem>>) target(%dma_start3A_178 : memref<128x128xf32, #tpu.memory_space<hbm>>) target_semaphore(%arg12 : memref<!tpu.dma_semaphore, #tpu.memory_space<semaphore_mem>>)
    %dma_wait3A_179 = arith.constant 0 : i32
    %dma_wait3A_180 = arith.constant 0 : i32
    %dma_wait3A_181 = tpu.memref_slice %arg2[%dma_wait3A_179, %dma_wait3A_180] : memref<4000x128xf32, #tpu.memory_space<hbm>> -> memref<4000x128xf32, #tpu.memory_space<hbm>>
    tpu.wait_indirect_dma semaphore(%arg11 : memref<!tpu.dma_semaphore, #tpu.memory_space<semaphore_mem>>) src(%dma_wait3A_181 : memref<4000x128xf32, #tpu.memory_space<hbm>>) dst(%arg9 : memref<128x128xf32, #tpu.memory_space<vmem>>)
    %mul3A_182 = arith.constant 4 : i32
    %mul3A_183 = arith.muli %mul3A_0, %mul3A_182 : i32
    %add3A_184 = arith.constant 128 : i32
    %add3A_185 = arith.addi %mul3A_183, %add3A_184 : i32
    %dma_start3A_186 = arith.constant 0 : i32
    %dma_start3A_187 = tpu.memref_slice %arg4[%add3A_185, %dma_start3A_186] : memref<4096x128xf32, #tpu.memory_space<hbm>> -> memref<128x128xf32, #tpu.memory_space<hbm>>
    %dma_start3A_188 = arith.constant 0 : i32
    %dma_start3A_189 = tpu.memref_slice %arg4[%add3A_185, %dma_start3A_188] : memref<4096x128xf32, #tpu.memory_space<hbm>> -> memref<128x128xf32, #tpu.memory_space<hbm>>
    tpu.enqueue_dma source(%arg9 : memref<128x128xf32, #tpu.memory_space<vmem>>) target(%dma_start3A_189 : memref<128x128xf32, #tpu.memory_space<hbm>>) target_semaphore(%arg13 : memref<!tpu.dma_semaphore, #tpu.memory_space<semaphore_mem>>)
    %dma_wait3A_190 = arith.constant 0 : i32
    %dma_wait3A_191 = tpu.memref_slice %arg4[%mul3A_174, %dma_wait3A_190] : memref<4096x128xf32, #tpu.memory_space<hbm>> -> memref<128x128xf32, #tpu.memory_space<hbm>>
    %dma_wait3A_192 = arith.constant 0 : i32
    %dma_wait3A_193 = tpu.memref_slice %arg4[%mul3A_174, %dma_wait3A_192] : memref<4096x128xf32, #tpu.memory_space<hbm>> -> memref<128x128xf32, #tpu.memory_space<hbm>>
    tpu.wait_dma2 semaphore(%arg12 : memref<!tpu.dma_semaphore, #tpu.memory_space<semaphore_mem>>) src(%arg8 : memref<128x128xf32, #tpu.memory_space<vmem>>) dst(%dma_wait3A_193 : memref<128x128xf32, #tpu.memory_space<hbm>>)
    %dma_wait3A_194 = arith.constant 0 : i32
    %dma_wait3A_195 = tpu.memref_slice %arg4[%add3A_185, %dma_wait3A_194] : memref<4096x128xf32, #tpu.memory_space<hbm>> -> memref<128x128xf32, #tpu.memory_space<hbm>>
    %dma_wait3A_196 = arith.constant 0 : i32
    %dma_wait3A_197 = tpu.memref_slice %arg4[%add3A_185, %dma_wait3A_196] : memref<4096x128xf32, #tpu.memory_space<hbm>> -> memref<128x128xf32, #tpu.memory_space<hbm>>
    tpu.wait_dma2 semaphore(%arg13 : memref<!tpu.dma_semaphore, #tpu.memory_space<semaphore_mem>>) src(%arg9 : memref<128x128xf32, #tpu.memory_space<vmem>>) dst(%dma_wait3A_197 : memref<128x128xf32, #tpu.memory_space<hbm>>)
    return
  }
}

</mosaic_0001>

<sc_bundles>
// kernel: kernel.3.cloned.1.call-start
scs
__scs_entry_jumppad:
0x0: {  	(pc) =	sbr.rel $0x88, $3  }
0x1: {  	(tag) =	ssettag $0x0;
	lr =	simm.s32 $0x1  }
0x2: {  	[smem:$0x3F9F] =	sst lr;
	_ =	strace $0xD0000000  }
0x3: {  	_ = 	snop  }
0x4: {  	_ = 	snop  }
0x5: {  	_ = 	snop  }
0x6: {  	_ = 	snop  }
0x7: {  	_ = 	snop  }
__scs_overlays_trampoline_lowered:
0x8: {  	[smem:$0x3FAE] =	sst s0  }
0x9: {  	[smem:$0x3FAF] =	sst s1  }
0xa: {  	[smem:$0x3FB0] =	sst s2  }
0xb: {  	[smem:$0x3FB1] =	sst s3  }
0xc: {  	[smem:$0x3FB2] =	sst s4  }
0xd: {  	[smem:$0x3FB3] =	sst s5  }
0xe: {  	[smem:$0x3FB4] =	sst s6  }
0xf: {  	[smem:$0x3FB5] =	sst s7  }
0x10: {  	[smem:$0x3FB6] =	sst s8  }
0x11: {  	[smem:$0x3FB7] =	sst s9;
	s0 =	simm.s32 @!p0 $0x0  }
0x12: {  	s1 =	sld [smem:$0x3F9D];
	s0 =	simm.s32 @p0 $0x1  }
0x13: {  	[smem:$0x3FB8] =	sst s0;
	s0 =	simm.s32 @!p1 $0x0  }
0x14: {  	s2 =	sld [smem:$0x3F9C];
	s0 =	simm.s32 @p1 $0x1  }
0x15: {  	[smem:$0x3FB9] =	sst s0;
	s0 =	simm.s32 @!p2 $0x0  }
0x16: {  	s3 =	sld [smem:$0x3FDB];
	s0 =	simm.s32 @p2 $0x1  }
0x17: {  	s4 =	simm.s32 $0x1BF5;
	[smem:$0x3FBB] =	sst s0  }
0x18: {  	s0 =	sld [smem:$0x3F9E];
	_ =	swait.ge [sflag:s4], $0x0  }
0x19: {  	s7 =	sld [smem:$0x3F9F]  }
0x1a: {  	s8 =	sadd.s32 $0xFFFFE003, lr  }
0x1b: {  	s9 =	sadd.s32 $0xFFFFFEF7, lr;
	s5 =	simm.s32 $0xFFFFFFFF;
	p2 =	slt.u32 s8, $0xFFFFF086  }
0x1c: {  	p1 =	slt.u32 s9, $0xF7A;
	s5 =	simm.s32 @!p2 $0x0  }
0x1d: {  	s5 =	simm.s32 @p1 $0x1;
	p0 =	seq.s32 s7, s2  }
0x1e: {  	s7 =	smul.u32 @!p0 $0xF7A, s2;
	p2 =	seq.s32 @!p0 s5, $0x0  }
0x1f: {  	s9 =	smul.u32 $0xF7A, s1;
	s8 =	simm.s32 @!p0 $0x1BF5;
	p2 =	por !p2, p0  }
0x20: {  	[sflag:s8] =	ssyncset.s32 @!p0 $0xFFFFF086;
	s6 =	sadd.s32 @!p0 s3, s7;
	s7 =	simm.s32 @!p0 $0x108  }
0x21: {  	s3 =	sadd.s32 s3, s9;
	s6 =	sadd.s32 @!p0 $0x88, s6;
	s7 =	simm.s32 @p2 $0x1082  }
0x22: {  	[simem:s7], [sflag:s8] =	dma.local @!p0 [hbm:s6], $0xF7A  }
0x23: {  	s9 =	sor.u32 $0xD0000000, s2;
	s6 =	simm.s32 $0x108;
	_ =	swait.ge @!p0 [sflag:s8], $0x0  }
0x24: {  	s3 =	sadd.s32 $0x88, s3;
	s6 =	simm.s32 @!p1 $0x1082;
	[sflag:s4] =	ssyncset.s32 $0xFFFFF086  }
0x25: {  	[simem:s6], [sflag:s4] =	dma.local [hbm:s3], $0xF7A  }
0x26: {  	[smem:$0x3F9F] =	sst s1;
	(tag) =	ssettag s2;
	_ =	strace s9  }
0x27: {  	s1 =	sld [smem:$0x3FAF]  }
0x28: {  	s2 =	sld [smem:$0x3FB0]  }
0x29: {  	s4 =	sld [smem:$0x3FB2]  }
0x2a: {  	p0 =	seq.s32 s5, $0x0;
	s5 =	sld [smem:$0x3FB3]  }
0x2b: {  	s6 =	sld [smem:$0x3FB4]  }
0x2c: {  	s7 =	sld [smem:$0x3FB5]  }
0x2d: {  	s3 =	simm.s32 $0x108;
	s8 =	sld [smem:$0x3FB6]  }
0x2e: {  	s3 =	simm.s32 @!p0 $0x1082;
	s9 =	sld [smem:$0x3FB7]  }
0x2f: {  	lr =	sadd.s32 s0, s3;
	s0 =	sld [smem:$0x3FAE]  }
0x30: {  	s3 =	sld [smem:$0x3FB1]  }
0x31: {  	[smem:$0x3FBA] =	sst s10  }
0x32: {  	s10 =	sld [smem:$0x3FB8];
	_ =	sdelay $0x3  }
0x33: {  	p0 =	seq.s32 s10, $0x1;
	s10 =	sld [smem:$0x3FBA];
	_ =	sdelay $0x3  }
0x34: {  	[smem:$0x3FBA] =	sst s10  }
0x35: {  	s10 =	sld [smem:$0x3FB9];
	_ =	sdelay $0x3  }
0x36: {  	p1 =	seq.s32 s10, $0x1;
	s10 =	sld [smem:$0x3FBA];
	_ =	sdelay $0x3  }
0x37: {  	[smem:$0x3FBA] =	sst s10  }
0x38: {  	s10 =	sld [smem:$0x3FBB]  }
0x39: {  	_ = 	snop;
	(pc) =	sbr.ind lr, $3  }
0x3a: {  	_ = 	snop  }
0x3b: {  	_ = 	snop  }
0x3c: {  	p2 =	seq.s32 s10, $0x1;
	s10 =	sld [smem:$0x3FBA]  }
0x3d: {  	_ =	shalt  }
0x3e: {  	_ =	shalt  }
0x3f: {  	_ =	shalt  }
0x40: {  	_ =	shalt  }
0x41: {  	_ =	shalt  }
0x42: {  	_ =	shalt  }
0x43: {  	_ =	shalt  }
0x44: {  	_ =	shalt  }
0x45: {  	_ =	shalt  }
0x46: {  	_ =	shalt  }
0x47: {  	_ =	shalt  }
0x48: {  	_ =	shalt  }
0x49: {  	_ =	shalt  }
0x4a: {  	_ =	shalt  }
0x4b: {  	_ =	shalt  }
0x4c: {  	_ =	shalt  }
0x4d: {  	_ =	shalt  }
0x4e: {  	_ =	shalt  }
0x4f: {  	_ =	shalt  }
0x50: {  	_ =	shalt  }
0x51: {  	_ =	shalt  }
0x52: {  	_ =	shalt  }
0x53: {  	_ =	shalt  }
0x54: {  	_ =	shalt  }
0x55: {  	_ =	shalt  }
0x56: {  	_ =	shalt  }
0x57: {  	_ =	shalt  }
0x58: {  	_ =	shalt  }
0x59: {  	_ =	shalt  }
0x5a: {  	_ =	shalt  }
0x5b: {  	_ =	shalt  }
0x5c: {  	_ =	shalt  }
0x5d: {  	_ =	shalt  }
0x5e: {  	_ =	shalt  }
0x5f: {  	_ =	shalt  }
0x60: {  	_ =	shalt  }
0x61: {  	_ =	shalt  }
0x62: {  	_ =	shalt  }
0x63: {  	_ =	shalt  }
0x64: {  	_ =	shalt  }
0x65: {  	_ =	shalt  }
0x66: {  	_ =	shalt  }
0x67: {  	_ =	shalt  }
0x68: {  	_ =	shalt  }
0x69: {  	_ =	shalt  }
0x6a: {  	_ =	shalt  }
0x6b: {  	_ =	shalt  }
0x6c: {  	_ =	shalt  }
0x6d: {  	_ =	shalt  }
0x6e: {  	_ =	shalt  }
0x6f: {  	_ =	shalt  }
0x70: {  	_ =	shalt  }
0x71: {  	_ =	shalt  }
0x72: {  	_ =	shalt  }
0x73: {  	_ =	shalt  }
0x74: {  	_ =	shalt  }
0x75: {  	_ =	shalt  }
0x76: {  	_ =	shalt  }
0x77: {  	_ =	shalt  }
0x78: {  	_ =	shalt  }
0x79: {  	_ =	shalt  }
0x7a: {  	_ =	shalt  }
0x7b: {  	_ =	shalt  }
0x7c: {  	_ =	shalt  }
0x7d: {  	_ =	shalt  }
0x7e: {  	_ =	shalt  }
0x7f: {  	_ =	shalt  }
0x80: {  	_ =	shalt  }
0x81: {  	_ =	shalt  }
0x82: {  	_ =	shalt  }
0x83: {  	_ =	shalt  }
0x84: {  	_ =	shalt  }
0x85: {  	_ =	shalt  }
0x86: {  	_ =	shalt  }
0x87: {  	_ =	shalt  }
.Lfunc_end0:
.L_simem_size_0:
called_computation_lowered:
.L_overlay_start_0:
0x88: {  	s0 =	sld [smem:$0x3FD9]  }
0x89: {  	s1 =	sld [smem:$0x3FFE];
	_ =	sdelay $0x3  }
0x8a: {  	s0 =	sadd.s32 s1, s0  }
0x8b: {  	[smem:$0x3FC6] =	sst s0  }
0x8c: {  	_ = 	snop  }
0x8d: {  	s0 =	sld [smem:$0x3FC9]  }
0x8e: {  	s17 =	sld [smem:$0x3FC8]  }
0x8f: {  	s2 =	sld [smem:$0x3FD0];
	(tm) =	ssettm $0x1  }
0x90: {  	s3 =	sld [smem:$0x3FFB];
	_ =	sdelay $0x3  }
0x91: {  	_ =	strace s3  }
0x92: {  	s3 =	sld [smem:$0x3FFC];
	_ =	sdelay $0x3  }
0x93: {  	_ =	strace s3  }
0x94: {  	s3 =	sld [smem:$0x3FFD];
	_ =	sdelay $0x3  }
0x95: {  	_ =	strace s3  }
0x96: {  	_ =	strace $0x8FFFFFFF  }
0x97: {  	s18 =	sld [smem:$0x3FDB];
	_ =	sdelay $0x1  }
0x98: {  	s4 =	simm.s32 $_scs_section_size  }
0x99: {  	s5 =	simm.s32 $_size__tile_overlayer_lowered;
	s6 =	simm.s32 $_tile_overlayer_lowered  }
0x9a: {  	s21 =	simm.s32 $0x1BFF;
	s20 =	sshll.u32 s6, $0x1;
	s3 =	sadd.s32 s4, s18  }
0x9b: {  	s7 =	simm.s32 $0x0;
	s19 =	sshll.u32 s5, $0x1;
	s5 =	sadd.s32 s20, s3  }
0x9c: {  	[timem:s7], [sflag:s21] =	dma.local [hbm:s5], s19  }
0x9d: {  	_ =	swait.ge [sflag:s21], s19  }
0x9e: {  	s4 =	ssub.s32 $0x0, s19;
	[sflag:s21] =	ssyncset.done $0x0  }
0x9f: {  	[sflag:s21] =	ssyncadd.s32 s4;
	_ =	sdelay $0x1  }
0xa0: {  	s22 =	simm.s32 $0x1B8B  }
0xa1: {  	_ =	swait.ge [sflag:s22], $0x1  }
0xa2: {  	[sflag:s22] =	ssyncset.done $0x0  }
0xa3: {  	s23 =	simm.s32 $0x1B8E;
	[sflag:s22] =	ssyncadd.s32 $0xFFFFFFFF  }
0xa4: {  	s24 =	simm.s32 $execute0_lowered;
	[smem:$0x3FD2] =	sst s23  }
0xa5: {  	s4 =	sshll.u32 s24, $0x1;
	_ =	strace $0x80000046;
	[dreg:$0x1] =	wrdreg $0xFFFFFFFF  }
0xa6: {  	s25 =	simm.s32 $_size_execute0_lowered;
	s3 =	sadd.s32 s3, s4;
	[dreg:$0x0] =	wrdreg $0x0  }
0xa7: {  	s4 =	sshll.u32 s25, $0x1;
	[dreg:$0x2] =	wrdreg s3  }
0xa8: {  	[dreg:$0x3] =	wrdreg s4  }
0xa9: {  	[dreg:$0x4] =	wrdreg $0xC0  }
0xaa: {  	_ =	task [dreg:s7], $0x5FFFF  }
0xab: {  	[dreg:$0x1] =	wrdreg $0xFFFFFFFF  }
0xac: {  	[dreg:$0x0] =	wrdreg $0x60  }
0xad: {  	[dreg:$0x2] =	wrdreg s17  }
0xae: {  	[dreg:$0x3] =	wrdreg s0  }
0xaf: {  	[dreg:$0x4] =	wrdreg s2  }
0xb0: {  	[dreg:$0x5] =	wrdreg $0x9  }
0xb1: {  	_ =	task.clear_ibuf [dreg:s7], $0x6FFFF;
	_ =	strace $0x90000046  }
0xb2: {  	s26 =	simm.s32 $0x9;
	_ =	strace $0x80000048  }
0xb3: {  	_ =	swait.ge [sflag:s26], $0x1  }
0xb4: {  	[sflag:s26] =	ssyncadd.s32 $0xFFFFFFFF  }
0xb5: {  	_ =	strace $0x90000048  }
0xb6: {  	_ =	sfence  }
0xb7: {  	s28 =	sld [smem:$0x0];
	_ =	sdelay $0x1  }
0xb8: {  	s29 =	srdreg.scid  }
0xb9: {  	s30 =	sshll.u32 s29, $0xD;
	s31 =	sshrl.u32 s29, $0x2  }
0xba: {  	s1 =	sand.u32 $0x1, s29;
	s2 =	sand.u32 $0x4000, s30;
	s0 =	sadd.s32 s31, s28  }
0xbb: {  	s1 =	sor.u32 s2, s1;
	s0 =	sshll.u32 s0, $0x11  }
0xbc: {  	s0 =	sor.u32 s0, s1  }
0xbd: {  	s0 =	sadd.s32 $0x8F2B, s0  }
0xbe: {  	[sflag:s0] =	ssyncadd.remote.s32 $0x1  }
0xbf: {  	_ =	sfence.sel $0xFFFF  }
0xc0: {  	[dreg:$0x0] =	wrdreg $0xFFFFFFFF;
	(pc) =	sbr.abs _section_cstart, $3  }
0xc1: {  	[dreg:$0x1] =	wrdreg $0xFFFFFFFF  }
0xc2: {  	_ =	task.clear_ibuf [dreg:s7], $0x2FFFF;
	_ =	strace $0x9FFFFFFF  }
0xc3: {  	(tm) =	ssettm $0x7FFFFFFF  }
tec
execute0_lowered:
.L_overlay_start_1:
0x0: {  	(tag) =	ssettag $0x1  }
0x1: {  	s4 =	rddreg [dreg:$0x0]  }
0x2: {  	s5 =	rddreg [dreg:$0x1]  }
0x3: {  	s3 =	rddreg [dreg:$0x2]  }
0x4: {  	s0 =	rddreg [dreg:$0x3];
	s2 =	simm.s32 $0x0;
	s1 =	stileid.u32  }
0x5: {  	[smem:$0x7FF] =	sst s2;
	s6 =	sshll.u32 s1, $0x3  }
0x6: {  	s22 =	simm.s32 $0x5;
	_ =	strace $0x80000047;
	s5 =	sadd.s32 s5, s6  }
0x7: {  	[tilespmem:s2], [sflag:$0x5] =	stream.linear.gather [hbm4b:s5+s2], $0x40, $0x38;
	[tilespmem:$0x8140] =	vst v63  }
0x8: {  	_ =	swait.ge [sflag:s22], $0x40  }
0x9: {  	[sflag:s22] =	ssyncset.done $0x0  }
0xa: {  	[sflag:s22] =	ssyncadd.s32 $0xFFFFFFC0  }
0xb: {  	v0 =	vld [tilespmem:$0x0]  }
0xc: {  	v1 =	vlaneseq.u32  }
0xd: {  	v1 =	vmul.u32 $0x4, v1;
	_ =	sdelay $0x1  }
0xe: {  	v2 =	vor.u32 $0x1, v1  }
0xf: {  	v4 =	vor.u32 $0x2, v1;
	v3 =	vshll.u32 v0, $0x2  }
0x10: {  	v5 =	vor.u32 $0x3, v1;
	v0 =	vand.u32 $0x7, v0;
	v3 =	vand.u32 $0xFFFFFFE0, v3  }
0x11: {  	s23 =	simm.s32 $0x40;
	v0 =	vor.u32 v0, v3  }
0x12: {  	[tilespmem:v1+s23+$0x0] =	vst.idx.msk $0xffff, v0;
	v3 =	vor.u32 $0x8, v0  }
0x13: {  	v56 =	vor.u32 $0x10, v0;
	[tilespmem:v2+s23+$0x0] =	vst.idx.msk $0xffff, v3  }
0x14: {  	v0 =	vor.u32 $0x18, v0;
	[tilespmem:v4+s23+$0x0] =	vst.idx.msk $0xffff, v56  }
0x15: {  	[tilespmem:v5+s23+$0x0] =	vst.idx.msk $0xffff, v0  }
0x16: {  	v0 =	vld [tilespmem:$0x10];
	_ =	sdelay $0x2  }
0x17: {  	v57 =	vor.u32 $0x40, v1  }
0x18: {  	v6 =	vor.u32 $0x41, v1  }
0x19: {  	v8 =	vor.u32 $0x42, v1;
	v7 =	vshll.u32 v0, $0x2  }
0x1a: {  	v9 =	vor.u32 $0x43, v1;
	v0 =	vand.u32 $0x7, v0;
	v7 =	vand.u32 $0xFFFFFFE0, v7  }
0x1b: {  	v0 =	vor.u32 v0, v7  }
0x1c: {  	[tilespmem:v57+s23+$0x0] =	vst.idx.msk $0xffff, v0;
	v7 =	vor.u32 $0x8, v0  }
0x1d: {  	v58 =	vor.u32 $0x10, v0;
	[tilespmem:v6+s23+$0x0] =	vst.idx.msk $0xffff, v7  }
0x1e: {  	v0 =	vor.u32 $0x18, v0;
	[tilespmem:v8+s23+$0x0] =	vst.idx.msk $0xffff, v58  }
0x1f: {  	s24 =	simm.s32 $0x80;
	s7 =	simm.s32 $0x140;
	[tilespmem:v9+s23+$0x0] =	vst.idx.msk $0xffff, v0  }
0x20: {  	[tilespmem:s7], [sflag:$0x1] =	stream.indirect.gather [hbm4b:s4+s24], $0x80, s23, s24, $0xb8;
	[tilespmem:$0x8140] =	vst v63  }
0x21: {  	v0 =	vld [tilespmem:$0x20];
	_ =	sdelay $0x4  }
0x22: {  	v59 =	vshll.u32 v0, $0x2  }
0x23: {  	v0 =	vand.u32 $0x7, v0;
	v7 =	vand.u32 $0xFFFFFFE0, v59  }
0x24: {  	s25 =	simm.s32 $0xC0;
	v0 =	vor.u32 v0, v7  }
0x25: {  	[tilespmem:v1+s25+$0x0] =	vst.idx.msk $0xffff, v0;
	v60 =	vor.u32 $0x8, v0  }
0x26: {  	v61 =	vor.u32 $0x10, v0;
	[tilespmem:v2+s25+$0x0] =	vst.idx.msk $0xffff, v60  }
0x27: {  	v0 =	vor.u32 $0x18, v0;
	[tilespmem:v4+s25+$0x0] =	vst.idx.msk $0xffff, v61  }
0x28: {  	[tilespmem:v5+s25+$0x0] =	vst.idx.msk $0xffff, v0  }
0x29: {  	v0 =	vld [tilespmem:$0x30];
	_ =	sdelay $0x4  }
0x2a: {  	v62 =	vshll.u32 v0, $0x2  }
0x2b: {  	v0 =	vand.u32 $0x7, v0;
	v1 =	vand.u32 $0xFFFFFFE0, v62  }
0x2c: {  	v0 =	vor.u32 v0, v1  }
0x2d: {  	[tilespmem:v57+s25+$0x0] =	vst.idx.msk $0xffff, v0;
	v1 =	vor.u32 $0x8, v0  }
0x2e: {  	v63 =	vor.u32 $0x10, v0;
	[tilespmem:v6+s25+$0x0] =	vst.idx.msk $0xffff, v1  }
0x2f: {  	v0 =	vor.u32 $0x18, v0;
	[tilespmem:v8+s25+$0x0] =	vst.idx.msk $0xffff, v63  }
0x30: {  	s8 =	simm.s32 $0x4140;
	s26 =	simm.s32 $0x1;
	[tilespmem:v9+s25+$0x0] =	vst.idx.msk $0xffff, v0  }
0x31: {  	[tilespmem:s8], [sflag:$0x2] =	stream.indirect.gather [hbm4b:s4+s24], $0x80, s25, s24, $0xb8;
	[tilespmem:$0x8140] =	vst v63  }
0x32: {  	_ =	swait.ge [sflag:s26], $0x4000  }
0x33: {  	s28 =	sshll.u32 s1, $0xC;
	[sflag:s26] =	ssyncset.done $0x0  }
0x34: {  	s29 =	simm.s32 $0x2;
	s3 =	sadd.s32 s3, s28;
	[sflag:s26] =	ssyncadd.s32 $0xFFFFC000  }
0x35: {  	[hbm4b:s3+s2] =	stream.linear.scatter [tilespmem:s7], [sflag:$0x3], $0x4000, $0x38;
	[tilespmem:$0x8140] =	vst v63  }
0x36: {  	_ =	swait.ge [sflag:s29], $0x4000  }
0x37: {  	[sflag:s29] =	ssyncset.done $0x0  }
0x38: {  	s30 =	simm.s32 $0x3;
	s3 =	sadd.s32 $0x800, s3;
	[sflag:s29] =	ssyncadd.s32 $0xFFFFC000  }
0x39: {  	[hbm4b:s3+s2] =	stream.linear.scatter [tilespmem:s8], [sflag:$0x4], $0x4000, $0x38;
	[tilespmem:$0x8140] =	vst v63  }
0x3a: {  	_ =	swait.ge [sflag:s30], $0x4000  }
0x3b: {  	[sflag:s30] =	ssyncset.done $0x0  }
0x3c: {  	s31 =	simm.s32 $0x4;
	[sflag:s30] =	ssyncadd.s32 $0xFFFFC000  }
0x3d: {  	_ =	swait.ge [sflag:s31], $0x4000  }
0x3e: {  	[sflag:s31] =	ssyncset.done $0x0  }
0x3f: {  	[sflag:s31] =	ssyncadd.s32 $0xFFFFC000  }
0x40: {  	_ =	sfence.sel $0x180000  }
0x41: {  	[bflag:$0x0] =	sbarrier.arrive $0xFFFF  }
0x42: {  	p0 =	sne.s32 s1, $0x0;
	_ =	strace $0x90000047  }
0x43: {  	s0 =	sadd.s32 @!p0 $0x100000, s0;
	[bflag:$0x2] =	sbarrier.arrive $0xFFFF  }
0x44: {  	[sflag:s0] =	ssyncadd.tile.s32 @!p0 $0x1;
	_ =	shalt  }
.Lfunc_end2:
_tile_overlayer_lowered:
.L_overlay_start_2:
0x45: {  	(tag) =	ssettag $0x2  }
0x46: {  	s0 =	rddreg [dreg:$0x0];
	s2 =	stileid.u32  }
0x47: {  	s1 =	rddreg [dreg:$0x1];
	p0 =	sne.s32 s2, $0x0  }
0x48: {  	s3 =	rddreg [dreg:$0x2];
	[bflag:$0x3] =	sbarrier.arrive $0xFFFF;
	s2 =	simm.s32 @!p0 $0x1C05  }
0x49: {  	[timem:s3], [sflag:s2] =	dma.local @!p0 [hbm:s0], s1  }
0x4a: {  	s0 =	simm.s32 @!p0 $0x5  }
0x4b: {  	_ =	swait.ge @!p0 [sflag:s0], s1  }
0x4c: {  	s1 =	ssub.s32 @!p0 $0x0, s1;
	[sflag:s0] =	ssyncset.done @!p0 $0x0  }
0x4d: {  	[sflag:s0] =	ssyncadd.s32 @!p0 s1  }
0x4e: {  	[bflag:$0x3] =	sbarrier.arrive $0xFFFF  }
0x4f: {  	_ =	shalt  }

</sc_bundles>
